<compile_context>
chip_gen: v7x
topology: tpu7x:2x2x1
jax: 0.10.2.dev20260603
libtpu: 0.0.44.dev20260713+nightly
codegen_flags: <defaults>
</compile_context>

<pallas_src>
import jax
import jax.numpy as jnp
from jax.experimental import pallas as pl
from jax.experimental.pallas import tpu as pltpu


def _decode_block(inx_ref, mem_ref, nw_ref, w1_ref, w2_ref, b_ref, out_ref):
    d = nw_ref.shape[1]
    acc = jnp.dot(
        mem_ref[:, d:].astype(jnp.bfloat16),
        w1_ref[...],
        preferred_element_type=jnp.float32,
    )
    acc += jnp.dot(
        nw_ref[...].astype(jnp.bfloat16),
        w2_ref[...],
        preferred_element_type=jnp.float32,
    )
    out_ref[...] = jnp.maximum(acc + b_ref[...], 0.0)


@jax.jit
def kernel(mem, new_window, inx, W_dec, b_dec):
    n_nodes, win, d = mem.shape
    batch = new_window.shape[0]
    bb = 512
    assert batch % bb == 0

    mem2d = mem.reshape(n_nodes, win * d)
    w1 = W_dec[: (win - 1) * d].astype(jnp.bfloat16)
    w2 = W_dec[(win - 1) * d :].astype(jnp.bfloat16)
    b2 = b_dec.reshape(1, d)

    grid_spec = pltpu.PrefetchScalarGridSpec(
        num_scalar_prefetch=1,
        grid=(batch // bb,),
        in_specs=[
            pl.BlockSpec((bb, win * d), lambda i, inx_ref: (inx_ref[i * bb] // bb, 0)),
            pl.BlockSpec((bb, d), lambda i, inx_ref: (i, 0)),
            pl.BlockSpec(((win - 1) * d, d), lambda i, inx_ref: (0, 0)),
            pl.BlockSpec((d, d), lambda i, inx_ref: (0, 0)),
            pl.BlockSpec((1, d), lambda i, inx_ref: (0, 0)),
        ],
        out_specs=pl.BlockSpec((bb, d), lambda i, inx_ref: (i, 0)),
    )
    return pl.pallas_call(
        _decode_block,
        grid_spec=grid_spec,
        out_shape=jax.ShapeDtypeStruct((batch, d), jnp.float32),
    )(inx, mem2d, new_window, w1, w2, b2)

# --- scband reference (transcript-rebuilt; emitter-appended) ---
"""Pipeline reference for scband-sliding-window-family-386547057207 (READ-ONLY COPY).

The authoritative reference and input builder live on the scoring server;
editing this copy changes nothing except your own understanding.
"""

import jax, jax.numpy as jnp
import numpy as np

N_NODES = 50000
WINDOW = 8
INPUT_D = 512
BATCH = 16384


def setup_inputs(seed: int = 0) -> dict:
    key = jax.random.key(seed)
    k1, k2, k3, _ = jax.random.split(key, 4)
    mem = jax.random.normal(k1, (N_NODES, WINDOW, INPUT_D), dtype=jnp.float32)
    new_window = jax.random.normal(k2, (BATCH, INPUT_D), dtype=jnp.float32)
    # arange indices: unique, in-range node ids to update/retrieve
    inx = jnp.arange(BATCH, dtype=jnp.int32)
    # SimpleDecoder modeled as a single affine layer over the flattened window
    W_dec = jax.random.normal(k3, (WINDOW * INPUT_D, INPUT_D), dtype=jnp.float32) * 0.02
    b_dec = jnp.zeros((INPUT_D,), dtype=jnp.float32)
    return {"mem": mem, "new_window": new_window, "inx": inx, "W_dec": W_dec, "b_dec": b_dec}


def reference(mem, new_window, inx, W_dec, b_dec):
    # SlidingWindow.update_window: shift left by one snapshot, write new_window at last slot
    old = jnp.take(mem, inx, axis=0)                      # gather [B, W, D]
    shifted = jnp.concatenate([old[:, 1:, :], new_window[:, None, :]], axis=1)
    updated = mem.at[inx].set(shifted)                    # scatter-overwrite [N, W, D]
    # SlidingWindow.get_memory then SimpleDecoder over the flattened window
    retrieved = jnp.take(updated, inx, axis=0)            # gather [B, W, D]
    flat = retrieved.reshape(retrieved.shape[0], -1)      # [B, W*D]
    out = jax.nn.relu(flat @ W_dec + b_dec)               # [B, D]
    return out

if __name__ == "__main__":
    import jax
    _d = setup_inputs()
    print(jax.jit(kernel)(*tuple(_d.values())))

</pallas_src>

<mosaic_0001>
module attributes {stable_mosaic.version = 14 : i64} {
  func.func @_decode_block(%arg0: i32, %arg1: memref<16384xi32, #tpu.memory_space<smem>>, %arg2: memref<512x4096xf32, #tpu.memory_space<vmem>>, %arg3: memref<512x512xf32, #tpu.memory_space<vmem>>, %arg4: memref<3584x512xbf16, #tpu.memory_space<vmem>>, %arg5: memref<512x512xbf16, #tpu.memory_space<vmem>>, %arg6: memref<1x512xf32, #tpu.memory_space<vmem>>, %arg7: memref<512x512xf32, #tpu.memory_space<vmem>>) attributes {dimension_semantics = [#tpu.dimension_semantics<arbitrary>], iteration_bounds = array<i64: 32>, scalar_prefetch = 1 : i64, scratch_operands = 0 : i64, tpu.core_type = #tpu.core_type<tc>, window_params = [{transform_indices = @transform_0, window_bounds = array<i64: 512, 4096>}, {transform_indices = @transform_1, window_bounds = array<i64: 512, 512>}, {pipeline_mode = #tpu.pipeline_mode<synchronous>, transform_indices = @transform_2, window_bounds = array<i64: 3584, 512>}, {pipeline_mode = #tpu.pipeline_mode<synchronous>, transform_indices = @transform_3, window_bounds = array<i64: 512, 512>}, {pipeline_mode = #tpu.pipeline_mode<synchronous>, transform_indices = @transform_4, window_bounds = array<i64: 1, 512>}, {transform_indices = @transform_5, window_bounds = array<i64: 512, 512>}]} {
    %get3A = arith.constant 0 : index
    %get3A_0 = arith.constant 512 : index
    %get3A_1 = vector.load %arg2[%get3A, %get3A_0] : memref<512x4096xf32, #tpu.memory_space<vmem>>, vector<512x3584xf32>
    %convert_element_type3A = arith.truncf %get3A_1 : vector<512x3584xf32> to vector<512x3584xbf16>
    %get3A_2 = arith.constant 0 : index
    %get3A_3 = arith.constant 0 : index
    %get3A_4 = vector.load %arg4[%get3A_2, %get3A_3] : memref<3584x512xbf16, #tpu.memory_space<vmem>>, vector<3584x512xbf16>
    %dot_general3A = arith.constant dense<0.000000e+00> : vector<512x512xf32>
    %dot_general3A_5 = tpu.matmul %convert_element_type3A, %get3A_4, %dot_general3A {dimension_numbers = #tpu.dot_dimension_numbers<[1], [0], [0], [1], [0, 0, 1, 1], [], []>, transpose_lhs_hint = false} : vector<512x3584xbf16>, vector<3584x512xbf16>, vector<512x512xf32> -> vector<512x512xf32>
    %get3A_6 = arith.constant 0 : index
    %get3A_7 = arith.constant 0 : index
    %get3A_8 = vector.load %arg3[%get3A_6, %get3A_7] : memref<512x512xf32, #tpu.memory_space<vmem>>, vector<512x512xf32>
    %convert_element_type3A_9 = arith.truncf %get3A_8 : vector<512x512xf32> to vector<512x512xbf16>
    %get3A_10 = arith.constant 0 : index
    %get3A_11 = arith.constant 0 : index
    %get3A_12 = vector.load %arg5[%get3A_10, %get3A_11] : memref<512x512xbf16, #tpu.memory_space<vmem>>, vector<512x512xbf16>
    %dot_general3A_13 = arith.constant dense<0.000000e+00> : vector<512x512xf32>
    %dot_general3A_14 = tpu.matmul %convert_element_type3A_9, %get3A_12, %dot_general3A_13 {dimension_numbers = #tpu.dot_dimension_numbers<[1], [0], [0], [1], [0, 0, 1, 1], [], []>, transpose_lhs_hint = false} : vector<512x512xbf16>, vector<512x512xbf16>, vector<512x512xf32> -> vector<512x512xf32>
    %add3A = arith.addf %dot_general3A_5, %dot_general3A_14 : vector<512x512xf32>
    %get3A_15 = arith.constant 0 : index
    %get3A_16 = arith.constant 0 : index
    %get3A_17 = vector.load %arg6[%get3A_15, %get3A_16] : memref<1x512xf32, #tpu.memory_space<vmem>>, vector<1x512xf32>
    %add3A_18 = vector.broadcast %get3A_17 : vector<1x512xf32> to vector<512x512xf32>
    %add3A_19 = arith.addf %add3A, %add3A_18 : vector<512x512xf32>
    %max3A = arith.constant 0.000000e+00 : f32
    %max3A_20 = vector.broadcast %max3A : f32 to vector<512x512xf32>
    %max3A_21 = arith.maximumf %add3A_19, %max3A_20 : vector<512x512xf32>
    %swap3A = arith.constant 0 : index
    %swap3A_22 = arith.constant 0 : index
    %swap3A_23 = vector.load %arg7[%swap3A, %swap3A_22] : memref<512x512xf32, #tpu.memory_space<vmem>>, vector<512x512xf32>
    tpu.vector_store %arg7[%swap3A, %swap3A_22], %max3A_21 {strides = array<i32>} : memref<512x512xf32, #tpu.memory_space<vmem>>, vector<512x512xf32>,
    return
  }
  func.func @transform_0(%arg0: i32, %arg1: memref<16384xi32, #tpu.memory_space<smem>>) -> (i32, i32) {
    %mul3A = arith.constant 512 : i32
    %mul3A_0 = arith.muli %arg0, %mul3A : i32
    %get3A = arith.index_cast %mul3A_0 : i32 to index
    %get3A_1 = memref.load %arg1[%get3A] : memref<16384xi32, #tpu.memory_space<smem>>
    %jit3A = arith.constant 512 : i32
    %div3A = arith.divsi %get3A_1, %jit3A : i32
    %sign3A = arith.constant 0 : i32
    %sign3A_2 = arith.cmpi sgt, %get3A_1, %sign3A : i32
    %sign3A_3 = arith.extui %sign3A_2 : i1 to i32
    %sign3A_4 = arith.constant 0 : i32
    %sign3A_5 = arith.cmpi slt, %get3A_1, %sign3A_4 : i32
    %sign3A_6 = arith.extui %sign3A_5 : i1 to i32
    %sign3A_7 = arith.subi %sign3A_3, %sign3A_6 : i32
    %sign3A_8 = arith.constant 0 : i32
    %sign3A_9 = arith.cmpi sgt, %jit3A, %sign3A_8 : i32
    %sign3A_10 = arith.extui %sign3A_9 : i1 to i32
    %sign3A_11 = arith.constant 0 : i32
    %sign3A_12 = arith.cmpi slt, %jit3A, %sign3A_11 : i32
    %sign3A_13 = arith.extui %sign3A_12 : i1 to i32
    %sign3A_14 = arith.subi %sign3A_10, %sign3A_13 : i32
    %ne3A = arith.cmpi ne, %sign3A_7, %sign3A_14 : i32
    %rem3A = arith.remsi %get3A_1, %jit3A : i32
    %ne3A_15 = arith.constant 0 : i32
    %ne3A_16 = arith.cmpi ne, %rem3A, %ne3A_15 : i32
    %and3A = arith.andi %ne3A, %ne3A_16 : i1
    %sub3A = arith.constant 1 : i32
    %sub3A_17 = arith.subi %div3A, %sub3A : i32
    %select_n3A = arith.select %and3A, %sub3A_17, %div3A : i32
    %c0_i32 = arith.constant 0 : i32
    %c0_i32_18 = arith.constant 0 : i32
    return %select_n3A, %c0_i32 : i32, i32
  }
  func.func @transform_1(%arg0: i32, %arg1: memref<16384xi32, #tpu.memory_space<smem>>) -> (i32, i32) {
    %c0_i32 = arith.constant 0 : i32
    %c0_i32_0 = arith.constant 0 : i32
    return %arg0, %c0_i32 : i32, i32
  }
  func.func @transform_2(%arg0: i32, %arg1: memref<16384xi32, #tpu.memory_space<smem>>) -> (i32, i32) {
    %c0_i32 = arith.constant 0 : i32
    %c0_i32_0 = arith.constant 0 : i32
    %c0_i32_1 = arith.constant 0 : i32
    return %c0_i32, %c0_i32_0 : i32, i32
  }
  func.func @transform_3(%arg0: i32, %arg1: memref<16384xi32, #tpu.memory_space<smem>>) -> (i32, i32) {
    %c0_i32 = arith.constant 0 : i32
    %c0_i32_0 = arith.constant 0 : i32
    %c0_i32_1 = arith.constant 0 : i32
    return %c0_i32, %c0_i32_0 : i32, i32
  }
  func.func @transform_4(%arg0: i32, %arg1: memref<16384xi32, #tpu.memory_space<smem>>) -> (i32, i32) {
    %c0_i32 = arith.constant 0 : i32
    %c0_i32_0 = arith.constant 0 : i32
    %c0_i32_1 = arith.constant 0 : i32
    return %c0_i32, %c0_i32_0 : i32, i32
  }
  func.func @transform_5(%arg0: i32, %arg1: memref<16384xi32, #tpu.memory_space<smem>>) -> (i32, i32) {
    %c0_i32 = arith.constant 0 : i32
    %c0_i32_0 = arith.constant 0 : i32
    return %arg0, %c0_i32 : i32, i32
  }
}

</mosaic_0001>

<sc_bundles>
// kernel: sparse-core-data-format-call.cloned.1.call-start
scs
called_computation_lowered:
.L_overlay_start_0:
0x0: {  	s2 =	sld [smem:$0x3FD9]  }
0x1: {  	s3 =	sld [smem:$0x3FFE];
	_ =	sdelay $0x1  }
0x2: {  	s1 =	srdreg.scid  }
0x3: {  	s0 =	sand.u32 $0x1, s1  }
0x4: {  	s18 =	sshll.u32 s0, $0xA;
	s2 =	sadd.s32 s3, s2  }
0x5: {  	s2 =	sadd.s32 s2, s18  }
0x6: {  	[smem:$0x3FC3] =	sst s2  }
0x7: {  	_ = 	snop  }
0x8: {  	s2 =	sld [smem:$0x3FC9];
	(tm) =	ssettm $0x1  }
0x9: {  	s19 =	sld [smem:$0x3FFB];
	_ =	sdelay $0x3  }
0xa: {  	_ =	strace s19  }
0xb: {  	s3 =	sld [smem:$0x3FFC];
	_ =	sdelay $0x3  }
0xc: {  	_ =	strace s3  }
0xd: {  	s3 =	sld [smem:$0x3FFD];
	_ =	sdelay $0x3  }
0xe: {  	_ =	strace s3  }
0xf: {  	_ =	strace $0x8FFFFFFF  }
0x10: {  	s20 =	sld [smem:$0x3FDB];
	_ =	sdelay $0x1  }
0x11: {  	s4 =	simm.s32 $_scs_section_size  }
0x12: {  	s5 =	simm.s32 $_size__tile_overlayer_lowered;
	s6 =	simm.s32 $_tile_overlayer_lowered  }
0x13: {  	s23 =	simm.s32 $0x1BFF;
	s22 =	sshll.u32 s6, $0x1;
	s3 =	sadd.s32 s4, s20  }
0x14: {  	s7 =	simm.s32 $0x0;
	s21 =	sshll.u32 s5, $0x1;
	s5 =	sadd.s32 s22, s3  }
0x15: {  	[timem:s7], [sflag:s23] =	dma.local [hbm:s5], s21  }
0x16: {  	_ =	swait.ge [sflag:s23], s21  }
0x17: {  	s4 =	ssub.s32 $0x0, s21;
	[sflag:s23] =	ssyncset.done $0x0  }
0x18: {  	[sflag:s23] =	ssyncadd.s32 s4;
	_ =	sdelay $0x1  }
0x19: {  	s24 =	simm.s32 $0x1B8B  }
0x1a: {  	_ =	swait.ge [sflag:s24], $0x1  }
0x1b: {  	[sflag:s24] =	ssyncset.done $0x0  }
0x1c: {  	s26 =	simm.s32 $0x1B8E;
	s25 =	sld [smem:$0x3FFE];
	[sflag:s24] =	ssyncadd.s32 $0xFFFFFFFF  }
0x1d: {  	s27 =	simm.s32 $execute0_lowered;
	[smem:$0x3FD2] =	sst s26  }
0x1e: {  	s5 =	sshll.u32 s27, $0x1;
	_ =	strace $0x80000046;
	[dreg:$0x1] =	wrdreg $0xFFFFFFFF  }
0x1f: {  	s28 =	simm.s32 $_size_execute0_lowered;
	s3 =	sadd.s32 s3, s5;
	[dreg:$0x0] =	wrdreg $0x0  }
0x20: {  	s5 =	sshll.u32 s28, $0x1;
	[dreg:$0x2] =	wrdreg s3  }
0x21: {  	[dreg:$0x3] =	wrdreg s5  }
0x22: {  	[dreg:$0x4] =	wrdreg $0xC0  }
0x23: {  	_ =	task [dreg:s7], $0x5FFFF  }
0x24: {  	[dreg:$0x1] =	wrdreg $0xFFFFFFFF  }
0x25: {  	[dreg:$0x0] =	wrdreg $0x60  }
0x26: {  	[dreg:$0x2] =	wrdreg s2  }
0x27: {  	[dreg:$0x3] =	wrdreg s25  }
0x28: {  	[dreg:$0x4] =	wrdreg $0x9  }
0x29: {  	_ =	task.clear_ibuf [dreg:s7], $0x5FFFF;
	_ =	strace $0x90000046  }
0x2a: {  	s29 =	simm.s32 $0x9;
	_ =	strace $0x80000048  }
0x2b: {  	_ =	swait.ge [sflag:s29], $0x1  }
0x2c: {  	[sflag:s29] =	ssyncadd.s32 $0xFFFFFFFF  }
0x2d: {  	_ =	strace $0x90000048  }
0x2e: {  	_ =	sfence  }
0x2f: {  	s30 =	sld [smem:$0x0];
	_ =	sdelay $0x2  }
0x30: {  	s31 =	sshll.u32 s1, $0xD;
	s1 =	sshrl.u32 s1, $0x2  }
0x31: {  	s3 =	sand.u32 $0x4000, s31;
	s1 =	sadd.s32 s1, s30  }
0x32: {  	s0 =	sor.u32 s3, s0;
	s1 =	sshll.u32 s1, $0x11  }
0x33: {  	s0 =	sor.u32 s1, s0  }
0x34: {  	s0 =	sadd.s32 $0x8F2B, s0  }
0x35: {  	[sflag:s0] =	ssyncadd.remote.s32 $0x1  }
0x36: {  	_ =	sfence.sel $0xFFFF  }
0x37: {  	[dreg:$0x0] =	wrdreg $0xFFFFFFFF;
	(pc) =	sbr.abs _section_cstart, $3  }
0x38: {  	[dreg:$0x1] =	wrdreg $0xFFFFFFFF  }
0x39: {  	_ =	task.clear_ibuf [dreg:s7], $0x2FFFF;
	_ =	strace $0x9FFFFFFF  }
0x3a: {  	(tm) =	ssettm $0x7FFFFFFF  }
0x3b: {  	_ =	shalt  }
tec
execute0_lowered:
.L_overlay_start_1:
0x0: {  	(tag) =	ssettag $0x1  }
0x1: {  	s0 =	srdreg.scid;
	s6 =	rddreg [dreg:$0x0]  }
0x2: {  	s5 =	rddreg [dreg:$0x1];
	s1 =	stileid.u32;
	s31 =	simm.s32 $0x2  }
0x3: {  	s13 =	simm.s32 $0x0;
	s9 =	simm.s32 $0x1000;
	s0 =	sshll.u32 s0, $0x8  }
0x4: {  	s10 =	simm.s32 $0x0;
	s14 =	simm.s32 $0x0;
	s2 =	sand.u32 $0x100, s0  }
0x5: {  	s11 =	stileid.u32;
	s12 =	simm.s32 $0x0;
	s3 =	ssub.s32 $0x200, s2  }
0x6: {  	s20 =	simm.s32 $0x0;
	s7 =	ssub.s32 $0x1879, s1;
	s4 =	sshrl.u32 s3, $0x8  }
.Ltmp0:
0x7: {  	s8 =	sshrl.u32 s3, $0x9;
	s4 =	sand.u32 $0x1, s4;
	(pc) =	sbr.rel .LBB1_1-.Ltmp0, $4  }
0x8: {  	s0 =	rddreg [dreg:$0x2];
	s7 =	sshrl.u32 s7, $0x4;
	s4 =	sadd.s32 s8, s4  }
0x9: {  	_ =	strace $0x80000047;
	s3 =	simm.s32 $0x1;
	s4 =	smul.u32 s7, s4  }
0xa: {  	s5 =	sadd.s32 $0xA00, s5;
	s6 =	sadd.s32 s6, s2;
	[sflag:s3] =	ssyncpa.u1 $0x0  }
0xb: {  	[sflag:s31] =	ssyncpa.u1 $0x0;
	s8 =	simm.s32 $0x800;
	s7 =	sadd.s32 $0x1, s4  }
.LBB1_7:
0xc: {  	s15 =	sadd.s32 $0x10, s11  }
0xd: {  	p1 =	sgt.s32 s15, $0x1869  }
0xe: {  	s15 =	smov.u32 @p1 s1;
	p1 =	sne.s32 s12, s7  }
.Ltmp1:
0xf: {  	p0 =	slt.u32 s12, $0x2;
	(pc) =	sbr.rel @!p1 .LBB1_8-.Ltmp1, $4  }
0x10: {  	s13 =	simm.s32 @!p0 $0x2  }
0x11: {  	s16 =	sadd.s32 $0x1, s12;
	s14 =	smov.u32 s11;
	_ =	swait.ge @!p0 [sflag:s13], $0x4000  }
0x12: {  	s10 =	sadd.s32 $0x4000, s10;
	s12 =	smov.u32 s16;
	[sflag:s13] =	ssyncset.done @!p0 $0x0  }
0x13: {  	s11 =	smov.u32 s15;
	[sflag:s13] =	ssyncadd.s32 @!p0 $0xFFFFC000;
	s13 =	smov.u32 s2  }
.LBB1_1:
0x14: {  	p0 =	sge.u32 s12, s4  }
0x15: {  	s31 =	sadd.s32 $0xFFFFFFFF, s12;
	s15 =	sxor.u32 @!p0 $0xFFFFFFFF, s12  }
0x16: {  	s16 =	sshll.u32 @!p0 s11, $0xC;
	s17 =	simm.s32 @!p0 $0x800;
	s15 =	sshll.u32 @!p0 s15, $0xE  }
0x17: {  	s18 =	simm.s32 @!p0 $0x1000;
	s16 =	sadd.s32 @!p0 s16, s6;
	s15 =	sand.u32 @!p0 $0x4000, s15  }
0x18: {  	[tilespmem:s15], [sflag:$0x1] =	stream.strided.gather @!p0 [hbm4b:s16+s17], $0x4000, s18, s17, $0x38;
	[tilespmem:$0x10000] =	vst v63  }
0x19: {  	p0 =	sge.u32 s31, s4  }
.Ltmp2:
0x1a: {  	_ = 	snop;
	(pc) =	sbr.rel @p0 .LBB1_7-.Ltmp2, $1  }
0x1b: {  	_ =	sdelay $0x3  }
0x1c: {  	s15 =	sshll.u32 s10, $0x2;
	_ =	swait.ge [sflag:s3], $0x4000;
	s16 =	sshll.u32 s12, $0xE  }
0x1d: {  	p0 =	por $0x0, $0x0;
	s21 =	simm.s32 $0x0;
	s22 =	simm.s32 $0x0  }
0x1e: {  	s15 =	sand.u32 $0x10000, s15;
	[sflag:s3] =	ssyncset.done $0x0;
	s18 =	sand.u32 $0x4000, s16  }
0x1f: {  	s19 =	sshrl.u32 s15, $0x2;
	[sflag:s3] =	ssyncadd.s32 $0xFFFFC000;
	s16 =	sor.u32 $0x8000, s18  }
0x20: {  	s15 =	sor.u32 $0x40, s19;
	s17 =	sor.u32 $0x8410, s19;
	s19 =	sadd.s32 $0x8400, s19  }
.LBB1_3:
0x21: {  	v1 =	vld [tilespmem:s15+$0xFFFFFFD0]  }
0x22: {  	v2 =	vld [tilespmem:s15+$0x430]  }
0x23: {  	s23 =	sshll.u32 s22, $0xB;
	v4 =	vld [tilespmem:s15+$0xFFFFFFE0]  }
0x24: {  	v7 =	vld [tilespmem:s15+$0xFFFFFFF0];
	v0 =	vmov s23  }
0x25: {  	v8 =	vld [tilespmem:s15+$0x0]  }
0x26: {  	s30 =	sand.u32 $0x300, s20;
	v9 =	vld [tilespmem:s15+$0x10]  }
0x27: {  	s24 =	sand.u32 $0x80, s20;
	v10 =	vld [tilespmem:s15+$0x20];
	s23 =	sadd.s32 s30, s18  }
0x28: {  	v11 =	vld [tilespmem:s15+$0x30];
	s23 =	sadd.s32 s24, s23;
	s24 =	simm.s32 $0x1;
	[tilespmem:s17+$0x60] =	vst v2  }
0x29: {  	s31 =	sshll.u32 s21, $0x2;
	s24 =	simm.s32 @!p0 $0x0;
	[tilespmem:s17+$0xFFFFFC00] =	vst v1;
	v3 =	vld.idx.msk [tilespmem:v0+s23+$0x400 ss:$0x1], $0xffff  }
0x2a: {  	v6 =	vld [tilespmem:s15+$0x3D0];
	s24 =	sshll.u32 s24, $0x9;
	[tilespmem:s17+$0xFFFFFC10] =	vst v4;
	s23 =	sand.u32 $0xFFFFFC00, s31  }
0x2b: {  	v5 =	vld [tilespmem:s15+$0x3E0];
	[tilespmem:s17+$0xFFFFFC20] =	vst v7;
	s23 =	sor.u32 s24, s23  }
0x2c: {  	[tilespmem:s17+$0xFFFFFC30] =	vst v8;
	v4 =	vld [tilespmem:s15+$0x400];
	s23 =	sshrl.u32 s23, $0x2  }
0x2d: {  	[tilespmem:s17+$0xFFFFFC40] =	vst v9;
	v1 =	vld [tilespmem:s15+$0x410];
	s23 =	sadd.s32 s23, s19  }
0x2e: {  	[tilespmem:s23+$0x0] =	vst v3;
	v3 =	vld [tilespmem:s15+$0x3F0]  }
0x2f: {  	s27 =	simm.s32 $0x80;
	s26 =	simm.s32 $0x100;
	[tilespmem:s17+$0xFFFFFC50] =	vst v10;
	v2 =	vld [tilespmem:s15+$0x420]  }
0x30: {  	s25 =	smov.u32 s17;
	s28 =	sand.u32 $0x300, s27;
	v7 =	vld [tilespmem:s15+$0xFFFFFFC0];
	[tilespmem:s17+$0xFFFFFC60] =	vst v11;
	s24 =	sadd.s32 $0x80, s15  }
.LBB1_4:
0x31: {  	p1 =	sne.s32 s26, $0x380;
	v8 =	vld [tilespmem:s24+$0xFFFFFFD0];
	s27 =	sand.u32 $0x80, s27;
	s28 =	sadd.s32 s28, s18;
	[tilespmem:s25+$0x0] =	vst v6  }
0x32: {  	s28 =	sadd.s32 s27, s28;
	v6 =	vld [tilespmem:s24+$0x430];
	[tilespmem:s25+$0x10] =	vst v5;
	s27 =	smov.u32 s26  }
0x33: {  	v5 =	vld.idx.msk [tilespmem:v0+s28+$0x400 ss:$0x1], $0xffff;
	[tilespmem:s25+$0x20] =	vst v3  }
0x34: {  	v3 =	vld [tilespmem:s24+$0xFFFFFFE0];
	[tilespmem:s25+$0x30] =	vst v4  }
0x35: {  	v4 =	vld [tilespmem:s24+$0xFFFFFFF0];
	[tilespmem:s25+$0xFFFFFBF0] =	vst v7  }
0x36: {  	v7 =	vld [tilespmem:s24+$0x0];
	[tilespmem:s25+$0x40] =	vst v1  }
0x37: {  	v1 =	vld [tilespmem:s24+$0x10];
	[tilespmem:s25+$0x50] =	vst v2;
	s25 =	sadd.s32 $0x800, s25  }
0x38: {  	s23 =	sadd.s32 $0x800, s23;
	v2 =	vld [tilespmem:s24+$0x20];
	[tilespmem:s25+$0x60] =	vst v6  }
0x39: {  	v9 =	vld [tilespmem:s24+$0x30];
	[tilespmem:s23+$0x0] =	vst v5  }
0x3a: {  	[tilespmem:s25+$0xFFFFFC00] =	vst v8;
	v6 =	vld [tilespmem:s24+$0x3D0]  }
0x3b: {  	[tilespmem:s25+$0xFFFFFC10] =	vst v3;
	v5 =	vld [tilespmem:s24+$0x3E0]  }
.Ltmp3:
0x3c: {  	[tilespmem:s25+$0xFFFFFC20] =	vst v4;
	v3 =	vld [tilespmem:s24+$0x3F0];
	(pc) =	sbr.rel @p1 .LBB1_4-.Ltmp3, $4  }
0x3d: {  	[tilespmem:s25+$0xFFFFFC30] =	vst v7;
	v4 =	vld [tilespmem:s24+$0x400]  }
0x3e: {  	[tilespmem:s25+$0xFFFFFC40] =	vst v1;
	v1 =	vld [tilespmem:s24+$0x410]  }
0x3f: {  	[tilespmem:s25+$0xFFFFFC50] =	vst v2;
	v2 =	vld [tilespmem:s24+$0x420]  }
0x40: {  	s26 =	sadd.s32 $0x80, s26;
	s28 =	sand.u32 $0x300, s27;
	v7 =	vld [tilespmem:s24+$0xFFFFFFC0];
	[tilespmem:s25+$0xFFFFFC60] =	vst v9;
	s24 =	sadd.s32 $0x80, s24  }
0x41: {  	[tilespmem:s25+$0x0] =	vst v6  }
0x42: {  	[tilespmem:s25+$0x10] =	vst v5  }
0x43: {  	v49 =	vld [tilespmem:s24+$0x430];
	[tilespmem:s25+$0x20] =	vst v3  }
0x44: {  	v50 =	vld [tilespmem:s24+$0xFFFFFFD0];
	[tilespmem:s25+$0x30] =	vst v4  }
0x45: {  	v51 =	vld [tilespmem:s24+$0xFFFFFFE0];
	[tilespmem:s25+$0x40] =	vst v1  }
0x46: {  	v52 =	vld [tilespmem:s24+$0xFFFFFFF0];
	[tilespmem:s25+$0x50] =	vst v2  }
0x47: {  	s31 =	sadd.s32 $0x800, s25;
	v53 =	vld [tilespmem:s24+$0x0];
	[tilespmem:s25+$0xFFFFFBF0] =	vst v7  }
0x48: {  	v54 =	vld [tilespmem:s24+$0x10];
	[tilespmem:s31+$0x60] =	vst v49  }
0x49: {  	v55 =	vld [tilespmem:s24+$0x20];
	[tilespmem:s31+$0xFFFFFC00] =	vst v50  }
0x4a: {  	v56 =	vld [tilespmem:s24+$0x30];
	[tilespmem:s31+$0xFFFFFC10] =	vst v51  }
0x4b: {  	v57 =	vld [tilespmem:s24+$0x3D0];
	[tilespmem:s31+$0xFFFFFC20] =	vst v52  }
0x4c: {  	v58 =	vld [tilespmem:s24+$0x3E0];
	[tilespmem:s31+$0xFFFFFC30] =	vst v53  }
0x4d: {  	v59 =	vld [tilespmem:s24+$0x3F0];
	[tilespmem:s31+$0xFFFFFC40] =	vst v54  }
0x4e: {  	v60 =	vld [tilespmem:s24+$0x400];
	[tilespmem:s31+$0xFFFFFC50] =	vst v55  }
0x4f: {  	v61 =	vld [tilespmem:s24+$0xFFFFFFC0];
	[tilespmem:s31+$0xFFFFFC60] =	vst v56  }
0x50: {  	s26 =	sand.u32 $0x80, s27;
	s30 =	sadd.s32 s28, s18;
	v62 =	vld [tilespmem:s24+$0x410];
	[tilespmem:s31+$0x0] =	vst v57  }
0x51: {  	v63 =	vld [tilespmem:s24+$0x420];
	s22 =	sadd.s32 $0x1, s22;
	s26 =	sadd.s32 s26, s30;
	[tilespmem:s31+$0x10] =	vst v58  }
0x52: {  	p1 =	sne.s32 s22, $0x8;
	v0 =	vld.idx.msk [tilespmem:v0+s26+$0x400 ss:$0x1], $0xffff;
	[tilespmem:s31+$0x20] =	vst v59  }
.Ltmp4:
0x53: {  	[tilespmem:s31+$0x30] =	vst v60;
	(pc) =	sbr.rel @p1 .LBB1_3-.Ltmp4, $4  }
0x54: {  	[tilespmem:s31+$0xFFFFFBF0] =	vst v61  }
0x55: {  	[tilespmem:s31+$0x40] =	vst v62  }
0x56: {  	s23 =	sadd.s32 $0x800, s23;
	s15 =	sadd.s32 $0x800, s15;
	[tilespmem:s31+$0x50] =	vst v63  }
0x57: {  	s21 =	sadd.s32 $0x80, s21;
	p0 =	por !p0, !p0;
	s17 =	sadd.s32 $0x80, s17;
	[tilespmem:s23+$0x0] =	vst v0  }
.Ltmp5:
0x58: {  	(pc) =	sbr.rel .LBB1_7-.Ltmp5, $4  }
0x59: {  	s14 =	sshll.u32 s14, $0xC  }
0x5a: {  	s14 =	sadd.s32 s5, s14  }
0x5b: {  	s13 =	sadd.s32 s13, s14  }
0x5c: {  	[hbm4b:s13+s8] =	stream.strided.scatter [tilespmem:s16], [sflag:$0x2], $0x4000, s9, s8, $0x38;
	[tilespmem:$0x10000] =	vst v63  }
.LBB1_8:
0x5d: {  	_ =	sfence.sel $0x180000  }
0x5e: {  	s2 =	simm.s32 $0x1;
	[bflag:$0x0] =	sbarrier.arrive $0xFFFF  }
0x5f: {  	s31 =	simm.s32 $0x2;
	[sflag:s2] =	ssyncpa.u1 $0x1  }
0x60: {  	[sflag:s31] =	ssyncpa.u1 $0x1  }
0x61: {  	p0 =	sne.s32 s1, $0x0;
	_ =	strace $0x90000047  }
0x62: {  	s0 =	sadd.s32 @!p0 $0x100000, s0;
	[bflag:$0x2] =	sbarrier.arrive $0xFFFF  }
0x63: {  	[sflag:s0] =	ssyncadd.tile.s32 @!p0 $0x1;
	_ =	shalt  }
.Lfunc_end1:
_tile_overlayer_lowered:
.L_overlay_start_2:
0x64: {  	(tag) =	ssettag $0x2  }
0x65: {  	s0 =	rddreg [dreg:$0x0];
	s2 =	stileid.u32  }
0x66: {  	s1 =	rddreg [dreg:$0x1];
	p0 =	sne.s32 s2, $0x0  }
0x67: {  	s3 =	rddreg [dreg:$0x2];
	[bflag:$0x3] =	sbarrier.arrive $0xFFFF;
	s2 =	simm.s32 @!p0 $0x1C01  }
0x68: {  	[timem:s3], [sflag:s2] =	dma.local @!p0 [hbm:s0], s1  }
0x69: {  	s0 =	simm.s32 @!p0 $0x1  }
0x6a: {  	_ =	swait.ge @!p0 [sflag:s0], s1  }
0x6b: {  	s1 =	ssub.s32 @!p0 $0x0, s1;
	[sflag:s0] =	ssyncset.done @!p0 $0x0  }
0x6c: {  	[sflag:s0] =	ssyncadd.s32 @!p0 s1  }
0x6d: {  	[bflag:$0x3] =	sbarrier.arrive $0xFFFF  }
0x6e: {  	_ =	shalt  }

</sc_bundles>
